<compile_context>
chip_gen: v7x
topology: tpu7x:2x2x1
jax: 0.10.2.dev20260603
libtpu: 0.0.44.dev20260713+nightly
codegen_flags: <defaults>
</compile_context>

<pallas_src>
import jax
import jax.numpy as jnp
from jax.experimental import pallas as pl

_NUM_CLASSES = 6
_PROTO_N_AXIS = 2
_KDIM = 128
_SCALE_BM = 256


def _q_kernel(pr_ref, wq_ref, bq_ref, q_ref):
    for i in range(_NUM_CLASSES):
        p = pr_ref[i]
        w = wq_ref[i]
        q = jax.lax.dot_general(
            p, w, (((1,), (1,)), ((), ())), preferred_element_type=jnp.float32
        )
        q_ref[i] = q + bq_ref[i][None, :]


def _scale_kernel(x_ref, o_ref):
    o_ref[...] = x_ref[...] * jnp.float32(1.0 / 12.0)


def kernel(prototypes, assp_features, DomainTrain, Wk, bk, Wq, bq):
    b, c, h, w = assp_features.shape
    nc = prototypes.shape[1]
    pn = prototypes.shape[2]
    d = prototypes.shape[3]

    pr = jnp.transpose(prototypes, (1, 0, 2, 3)).reshape(nc, b * pn, d)
    q_all = pl.pallas_call(
        _q_kernel,
        out_shape=jax.ShapeDtypeStruct((nc, b * pn, _KDIM), jnp.float32),
    )(pr, Wq, bq)
    qs = q_all.reshape(nc, b, pn, _KDIM)

    rows = b * c
    cols = h * w
    x2 = assp_features.reshape(rows, cols)
    grid = rows // _SCALE_BM
    out2 = pl.pallas_call(
        _scale_kernel,
        grid=(grid,),
        in_specs=[pl.BlockSpec((_SCALE_BM, cols), lambda m: (m, 0))],
        out_specs=pl.BlockSpec((_SCALE_BM, cols), lambda m: (m, 0)),
        out_shape=jax.ShapeDtypeStruct((rows, cols), jnp.float32),
    )(x2)
    assp_weighted = out2.reshape(b, c, h, w)

    protos_out = tuple(qs[i, :, j] for i in range(nc) for j in range(pn))
    return (assp_weighted,) + protos_out

# --- scband reference (transcript-rebuilt; emitter-appended) ---
"""Pipeline reference for scband-one-key-attation-56487409877273 (READ-ONLY COPY).

The authoritative reference and input builder live on the scoring server;
editing this copy changes nothing except your own understanding.
"""

import jax, jax.numpy as jnp
import numpy as np

B, C, H, W = 8, 384, 64, 64
NUM_CLASSES, PROTO_N = 6, 1
D = C * PROTO_N
N_CLUSTER = 12
KDIM = 128


def setup_inputs(seed: int = 0) -> dict:
    key = jax.random.key(seed)
    ks = jax.random.split(key, 6)
    prototypes = jax.random.normal(ks[0], (B, NUM_CLASSES, 2, D), dtype=jnp.float32)
    assp_features = jax.random.normal(ks[1], (B, C, H, W), dtype=jnp.float32)
    # key conv (1x1) weight/bias, represented as matrix
    Wk = jax.random.normal(ks[2], (KDIM, C), dtype=jnp.float32) * 0.05
    bk = jnp.zeros((KDIM,), dtype=jnp.float32)
    # per-class query convs (1x1) stacked: [num_classes, 128, D]
    Wq = jax.random.normal(ks[3], (NUM_CLASSES, KDIM, D), dtype=jnp.float32) * 0.05
    bq = jnp.zeros((NUM_CLASSES, KDIM), dtype=jnp.float32)
    return {"prototypes": prototypes, "assp_features": assp_features,
            "DomainTrain": False, "Wk": Wk, "bk": bk, "Wq": Wq, "bq": bq}


def reference(prototypes, assp_features, DomainTrain, Wk, bk, Wq, bq):
    # DomainTrain=False path: prototypes already [B, 6, 2, D]
    b, c, h, w = assp_features.shape
    # key 1x1 conv -> [B, 128, H, W] -> [B, 128, H*W]
    key_out = jnp.einsum('bchw,oc->bohw', assp_features, Wk) + bk[None, :, None, None]
    key_flat = key_out.reshape(b, KDIM, h * w)
    prototypesOut = []
    similarityList = []
    for i in range(prototypes.shape[1]):
        for j in range(prototypes.shape[2]):
            # query_i 1x1 conv applied to [B, D, 1, 1] -> [B, 128]
            q = prototypes[:, i, j, :] @ Wq[i].T + bq[i][None, :]
            prototypesOut.append(q)  # matches query_output.squeeze(1)
            # bmm([B,1,128],[B,128,HW]) -> [B,1,HW] -> [B,1,H,W]
            sim = jnp.einsum('bk,bkn->bn', q, key_flat).reshape(b, 1, h, w)
            similarityList.append(sim)
    similarityCat = jnp.concatenate(similarityList, axis=1)  # [B, 12, H, W]
    similarityWeiht = jax.nn.softmax(similarityCat / similarityCat.shape[1] * N_CLUSTER, axis=1)
    similarityWeiht = similarityWeiht.mean(axis=1)  # [B, H, W]
    assp_weighted = assp_features * similarityWeiht[:, None, :, :]
    return (assp_weighted,) + tuple(prototypesOut)

if __name__ == "__main__":
    import jax
    _d = setup_inputs()
    print(jax.jit(kernel)(*tuple(_d.values())))

</pallas_src>

<mosaic_0001>
module attributes {stable_mosaic.version = 14 : i64} {
  func.func @_scale_kernel(%arg0: i32, %arg1: memref<256x4096xf32, #tpu.memory_space<vmem>>, %arg2: memref<256x4096xf32, #tpu.memory_space<vmem>>) attributes {dimension_semantics = [#tpu.dimension_semantics<arbitrary>], iteration_bounds = array<i64: 12>, scalar_prefetch = 0 : i64, scratch_operands = 0 : i64, tpu.core_type = #tpu.core_type<tc>, window_params = [{transform_indices = @transform_0, window_bounds = array<i64: 256, 4096>}, {transform_indices = @transform_1, window_bounds = array<i64: 256, 4096>}]} {
    %get3A = arith.constant 0 : index
    %get3A_0 = arith.constant 0 : index
    %get3A_1 = vector.load %arg1[%get3A, %get3A_0] : memref<256x4096xf32, #tpu.memory_space<vmem>>, vector<256x4096xf32>
    %mul3A = arith.constant 0.0833333358 : f32
    %mul3A_2 = vector.broadcast %mul3A : f32 to vector<256x4096xf32>
    %mul3A_3 = arith.mulf %get3A_1, %mul3A_2 : vector<256x4096xf32>
    %swap3A = arith.constant 0 : index
    %swap3A_4 = arith.constant 0 : index
    %swap3A_5 = vector.load %arg2[%swap3A, %swap3A_4] : memref<256x4096xf32, #tpu.memory_space<vmem>>, vector<256x4096xf32>
    tpu.vector_store %arg2[%swap3A, %swap3A_4], %mul3A_3 {strides = array<i32>} : memref<256x4096xf32, #tpu.memory_space<vmem>>, vector<256x4096xf32>,
    return
  }
  func.func @transform_0(%arg0: i32) -> (i32, i32) {
    %c0_i32 = arith.constant 0 : i32
    %c0_i32_0 = arith.constant 0 : i32
    return %arg0, %c0_i32 : i32, i32
  }
  func.func @transform_1(%arg0: i32) -> (i32, i32) {
    %c0_i32 = arith.constant 0 : i32
    %c0_i32_0 = arith.constant 0 : i32
    return %arg0, %c0_i32 : i32, i32
  }
}

module attributes {stable_mosaic.version = 14 : i64} {
  func.func @_q_kernel(%arg0: memref<6x16x384xf32, #tpu.memory_space<vmem>>, %arg1: memref<6x128x384xf32, #tpu.memory_space<vmem>>, %arg2: memref<6x128xf32, #tpu.memory_space<vmem>>, %arg3: memref<6x16x128xf32, #tpu.memory_space<vmem>>) attributes {dimension_semantics = [], scalar_prefetch = 0 : i64, scratch_operands = 0 : i64, tpu.core_type = #tpu.core_type<tc>} {
    %get3A = arith.constant 0 : index
    %get3A_0 = arith.constant 0 : index
    %get3A_1 = arith.constant 0 : index
    %get3A_2 = vector.load %arg0[%get3A, %get3A_0, %get3A_1] : memref<6x16x384xf32, #tpu.memory_space<vmem>>, vector<1x16x384xf32>
    %get3A_3 = vector.shape_cast %get3A_2 : vector<1x16x384xf32> to vector<16x384xf32>
    %get3A_4 = arith.constant 0 : index
    %get3A_5 = arith.constant 0 : index
    %get3A_6 = arith.constant 0 : index
    %get3A_7 = vector.load %arg1[%get3A_4, %get3A_5, %get3A_6] : memref<6x128x384xf32, #tpu.memory_space<vmem>>, vector<1x128x384xf32>
    %get3A_8 = vector.shape_cast %get3A_7 : vector<1x128x384xf32> to vector<128x384xf32>
    %dot_general3A = arith.constant dense<0.000000e+00> : vector<16x128xf32>
    %dot_general3A_9 = tpu.matmul %get3A_3, %get3A_8, %dot_general3A {dimension_numbers = #tpu.dot_dimension_numbers<[1], [1], [0], [0], [0, 0, 1, 0], [], []>, transpose_lhs_hint = false} : vector<16x384xf32>, vector<128x384xf32>, vector<16x128xf32> -> vector<16x128xf32>
    %get3A_10 = arith.constant 0 : index
    %get3A_11 = arith.constant 0 : index
    %get3A_12 = vector.load %arg2[%get3A_10, %get3A_11] : memref<6x128xf32, #tpu.memory_space<vmem>>, vector<1x128xf32>
    %get3A_13 = vector.shape_cast %get3A_12 : vector<1x128xf32> to vector<128xf32>
    %broadcast_in_dim3A = vector.shape_cast %get3A_13 : vector<128xf32> to vector<1x128xf32>
    %add3A = vector.broadcast %broadcast_in_dim3A : vector<1x128xf32> to vector<16x128xf32>
    %add3A_14 = arith.addf %dot_general3A_9, %add3A : vector<16x128xf32>
    %swap3A = arith.constant 0 : index
    %swap3A_15 = arith.constant 0 : index
    %swap3A_16 = arith.constant 0 : index
    %swap3A_17 = vector.load %arg3[%swap3A, %swap3A_15, %swap3A_16] : memref<6x16x128xf32, #tpu.memory_space<vmem>>, vector<1x16x128xf32>
    %swap3A_18 = vector.shape_cast %swap3A_17 : vector<1x16x128xf32> to vector<16x128xf32>
    %swap3A_19 = vector.shape_cast %add3A_14 : vector<16x128xf32> to vector<1x16x128xf32>
    tpu.vector_store %arg3[%swap3A, %swap3A_15, %swap3A_16], %swap3A_19 {strides = array<i32>} : memref<6x16x128xf32, #tpu.memory_space<vmem>>, vector<1x16x128xf32>,
    %get3A_20 = arith.constant 1 : index
    %get3A_21 = arith.constant 0 : index
    %get3A_22 = arith.constant 0 : index
    %get3A_23 = vector.load %arg0[%get3A_20, %get3A_21, %get3A_22] : memref<6x16x384xf32, #tpu.memory_space<vmem>>, vector<1x16x384xf32>
    %get3A_24 = vector.shape_cast %get3A_23 : vector<1x16x384xf32> to vector<16x384xf32>
    %get3A_25 = arith.constant 1 : index
    %get3A_26 = arith.constant 0 : index
    %get3A_27 = arith.constant 0 : index
    %get3A_28 = vector.load %arg1[%get3A_25, %get3A_26, %get3A_27] : memref<6x128x384xf32, #tpu.memory_space<vmem>>, vector<1x128x384xf32>
    %get3A_29 = vector.shape_cast %get3A_28 : vector<1x128x384xf32> to vector<128x384xf32>
    %dot_general3A_30 = arith.constant dense<0.000000e+00> : vector<16x128xf32>
    %dot_general3A_31 = tpu.matmul %get3A_24, %get3A_29, %dot_general3A_30 {dimension_numbers = #tpu.dot_dimension_numbers<[1], [1], [0], [0], [0, 0, 1, 0], [], []>, transpose_lhs_hint = false} : vector<16x384xf32>, vector<128x384xf32>, vector<16x128xf32> -> vector<16x128xf32>
    %get3A_32 = arith.constant 1 : index
    %get3A_33 = arith.constant 0 : index
    %get3A_34 = vector.load %arg2[%get3A_32, %get3A_33] : memref<6x128xf32, #tpu.memory_space<vmem>>, vector<1x128xf32>
    %get3A_35 = vector.shape_cast %get3A_34 : vector<1x128xf32> to vector<128xf32>
    %broadcast_in_dim3A_36 = vector.shape_cast %get3A_35 : vector<128xf32> to vector<1x128xf32>
    %add3A_37 = vector.broadcast %broadcast_in_dim3A_36 : vector<1x128xf32> to vector<16x128xf32>
    %add3A_38 = arith.addf %dot_general3A_31, %add3A_37 : vector<16x128xf32>
    %swap3A_39 = arith.constant 1 : index
    %swap3A_40 = arith.constant 0 : index
    %swap3A_41 = arith.constant 0 : index
    %swap3A_42 = vector.load %arg3[%swap3A_39, %swap3A_40, %swap3A_41] : memref<6x16x128xf32, #tpu.memory_space<vmem>>, vector<1x16x128xf32>
    %swap3A_43 = vector.shape_cast %swap3A_42 : vector<1x16x128xf32> to vector<16x128xf32>
    %swap3A_44 = vector.shape_cast %add3A_38 : vector<16x128xf32> to vector<1x16x128xf32>
    tpu.vector_store %arg3[%swap3A_39, %swap3A_40, %swap3A_41], %swap3A_44 {strides = array<i32>} : memref<6x16x128xf32, #tpu.memory_space<vmem>>, vector<1x16x128xf32>,
    %get3A_45 = arith.constant 2 : index
    %get3A_46 = arith.constant 0 : index
    %get3A_47 = arith.constant 0 : index
    %get3A_48 = vector.load %arg0[%get3A_45, %get3A_46, %get3A_47] : memref<6x16x384xf32, #tpu.memory_space<vmem>>, vector<1x16x384xf32>
    %get3A_49 = vector.shape_cast %get3A_48 : vector<1x16x384xf32> to vector<16x384xf32>
    %get3A_50 = arith.constant 2 : index
    %get3A_51 = arith.constant 0 : index
    %get3A_52 = arith.constant 0 : index
    %get3A_53 = vector.load %arg1[%get3A_50, %get3A_51, %get3A_52] : memref<6x128x384xf32, #tpu.memory_space<vmem>>, vector<1x128x384xf32>
    %get3A_54 = vector.shape_cast %get3A_53 : vector<1x128x384xf32> to vector<128x384xf32>
    %dot_general3A_55 = arith.constant dense<0.000000e+00> : vector<16x128xf32>
    %dot_general3A_56 = tpu.matmul %get3A_49, %get3A_54, %dot_general3A_55 {dimension_numbers = #tpu.dot_dimension_numbers<[1], [1], [0], [0], [0, 0, 1, 0], [], []>, transpose_lhs_hint = false} : vector<16x384xf32>, vector<128x384xf32>, vector<16x128xf32> -> vector<16x128xf32>
    %get3A_57 = arith.constant 2 : index
    %get3A_58 = arith.constant 0 : index
    %get3A_59 = vector.load %arg2[%get3A_57, %get3A_58] : memref<6x128xf32, #tpu.memory_space<vmem>>, vector<1x128xf32>
    %get3A_60 = vector.shape_cast %get3A_59 : vector<1x128xf32> to vector<128xf32>
    %broadcast_in_dim3A_61 = vector.shape_cast %get3A_60 : vector<128xf32> to vector<1x128xf32>
    %add3A_62 = vector.broadcast %broadcast_in_dim3A_61 : vector<1x128xf32> to vector<16x128xf32>
    %add3A_63 = arith.addf %dot_general3A_56, %add3A_62 : vector<16x128xf32>
    %swap3A_64 = arith.constant 2 : index
    %swap3A_65 = arith.constant 0 : index
    %swap3A_66 = arith.constant 0 : index
    %swap3A_67 = vector.load %arg3[%swap3A_64, %swap3A_65, %swap3A_66] : memref<6x16x128xf32, #tpu.memory_space<vmem>>, vector<1x16x128xf32>
    %swap3A_68 = vector.shape_cast %swap3A_67 : vector<1x16x128xf32> to vector<16x128xf32>
    %swap3A_69 = vector.shape_cast %add3A_63 : vector<16x128xf32> to vector<1x16x128xf32>
    tpu.vector_store %arg3[%swap3A_64, %swap3A_65, %swap3A_66], %swap3A_69 {strides = array<i32>} : memref<6x16x128xf32, #tpu.memory_space<vmem>>, vector<1x16x128xf32>,
    %get3A_70 = arith.constant 3 : index
    %get3A_71 = arith.constant 0 : index
    %get3A_72 = arith.constant 0 : index
    %get3A_73 = vector.load %arg0[%get3A_70, %get3A_71, %get3A_72] : memref<6x16x384xf32, #tpu.memory_space<vmem>>, vector<1x16x384xf32>
    %get3A_74 = vector.shape_cast %get3A_73 : vector<1x16x384xf32> to vector<16x384xf32>
    %get3A_75 = arith.constant 3 : index
    %get3A_76 = arith.constant 0 : index
    %get3A_77 = arith.constant 0 : index
    %get3A_78 = vector.load %arg1[%get3A_75, %get3A_76, %get3A_77] : memref<6x128x384xf32, #tpu.memory_space<vmem>>, vector<1x128x384xf32>
    %get3A_79 = vector.shape_cast %get3A_78 : vector<1x128x384xf32> to vector<128x384xf32>
    %dot_general3A_80 = arith.constant dense<0.000000e+00> : vector<16x128xf32>
    %dot_general3A_81 = tpu.matmul %get3A_74, %get3A_79, %dot_general3A_80 {dimension_numbers = #tpu.dot_dimension_numbers<[1], [1], [0], [0], [0, 0, 1, 0], [], []>, transpose_lhs_hint = false} : vector<16x384xf32>, vector<128x384xf32>, vector<16x128xf32> -> vector<16x128xf32>
    %get3A_82 = arith.constant 3 : index
    %get3A_83 = arith.constant 0 : index
    %get3A_84 = vector.load %arg2[%get3A_82, %get3A_83] : memref<6x128xf32, #tpu.memory_space<vmem>>, vector<1x128xf32>
    %get3A_85 = vector.shape_cast %get3A_84 : vector<1x128xf32> to vector<128xf32>
    %broadcast_in_dim3A_86 = vector.shape_cast %get3A_85 : vector<128xf32> to vector<1x128xf32>
    %add3A_87 = vector.broadcast %broadcast_in_dim3A_86 : vector<1x128xf32> to vector<16x128xf32>
    %add3A_88 = arith.addf %dot_general3A_81, %add3A_87 : vector<16x128xf32>
    %swap3A_89 = arith.constant 3 : index
    %swap3A_90 = arith.constant 0 : index
    %swap3A_91 = arith.constant 0 : index
    %swap3A_92 = vector.load %arg3[%swap3A_89, %swap3A_90, %swap3A_91] : memref<6x16x128xf32, #tpu.memory_space<vmem>>, vector<1x16x128xf32>
    %swap3A_93 = vector.shape_cast %swap3A_92 : vector<1x16x128xf32> to vector<16x128xf32>
    %swap3A_94 = vector.shape_cast %add3A_88 : vector<16x128xf32> to vector<1x16x128xf32>
    tpu.vector_store %arg3[%swap3A_89, %swap3A_90, %swap3A_91], %swap3A_94 {strides = array<i32>} : memref<6x16x128xf32, #tpu.memory_space<vmem>>, vector<1x16x128xf32>,
    %get3A_95 = arith.constant 4 : index
    %get3A_96 = arith.constant 0 : index
    %get3A_97 = arith.constant 0 : index
    %get3A_98 = vector.load %arg0[%get3A_95, %get3A_96, %get3A_97] : memref<6x16x384xf32, #tpu.memory_space<vmem>>, vector<1x16x384xf32>
    %get3A_99 = vector.shape_cast %get3A_98 : vector<1x16x384xf32> to vector<16x384xf32>
    %get3A_100 = arith.constant 4 : index
    %get3A_101 = arith.constant 0 : index
    %get3A_102 = arith.constant 0 : index
    %get3A_103 = vector.load %arg1[%get3A_100, %get3A_101, %get3A_102] : memref<6x128x384xf32, #tpu.memory_space<vmem>>, vector<1x128x384xf32>
    %get3A_104 = vector.shape_cast %get3A_103 : vector<1x128x384xf32> to vector<128x384xf32>
    %dot_general3A_105 = arith.constant dense<0.000000e+00> : vector<16x128xf32>
    %dot_general3A_106 = tpu.matmul %get3A_99, %get3A_104, %dot_general3A_105 {dimension_numbers = #tpu.dot_dimension_numbers<[1], [1], [0], [0], [0, 0, 1, 0], [], []>, transpose_lhs_hint = false} : vector<16x384xf32>, vector<128x384xf32>, vector<16x128xf32> -> vector<16x128xf32>
    %get3A_107 = arith.constant 4 : index
    %get3A_108 = arith.constant 0 : index
    %get3A_109 = vector.load %arg2[%get3A_107, %get3A_108] : memref<6x128xf32, #tpu.memory_space<vmem>>, vector<1x128xf32>
    %get3A_110 = vector.shape_cast %get3A_109 : vector<1x128xf32> to vector<128xf32>
    %broadcast_in_dim3A_111 = vector.shape_cast %get3A_110 : vector<128xf32> to vector<1x128xf32>
    %add3A_112 = vector.broadcast %broadcast_in_dim3A_111 : vector<1x128xf32> to vector<16x128xf32>
    %add3A_113 = arith.addf %dot_general3A_106, %add3A_112 : vector<16x128xf32>
    %swap3A_114 = arith.constant 4 : index
    %swap3A_115 = arith.constant 0 : index
    %swap3A_116 = arith.constant 0 : index
    %swap3A_117 = vector.load %arg3[%swap3A_114, %swap3A_115, %swap3A_116] : memref<6x16x128xf32, #tpu.memory_space<vmem>>, vector<1x16x128xf32>
    %swap3A_118 = vector.shape_cast %swap3A_117 : vector<1x16x128xf32> to vector<16x128xf32>
    %swap3A_119 = vector.shape_cast %add3A_113 : vector<16x128xf32> to vector<1x16x128xf32>
    tpu.vector_store %arg3[%swap3A_114, %swap3A_115, %swap3A_116], %swap3A_119 {strides = array<i32>} : memref<6x16x128xf32, #tpu.memory_space<vmem>>, vector<1x16x128xf32>,
    %get3A_120 = arith.constant 5 : index
    %get3A_121 = arith.constant 0 : index
    %get3A_122 = arith.constant 0 : index
    %get3A_123 = vector.load %arg0[%get3A_120, %get3A_121, %get3A_122] : memref<6x16x384xf32, #tpu.memory_space<vmem>>, vector<1x16x384xf32>
    %get3A_124 = vector.shape_cast %get3A_123 : vector<1x16x384xf32> to vector<16x384xf32>
    %get3A_125 = arith.constant 5 : index
    %get3A_126 = arith.constant 0 : index
    %get3A_127 = arith.constant 0 : index
    %get3A_128 = vector.load %arg1[%get3A_125, %get3A_126, %get3A_127] : memref<6x128x384xf32, #tpu.memory_space<vmem>>, vector<1x128x384xf32>
    %get3A_129 = vector.shape_cast %get3A_128 : vector<1x128x384xf32> to vector<128x384xf32>
    %dot_general3A_130 = arith.constant dense<0.000000e+00> : vector<16x128xf32>
    %dot_general3A_131 = tpu.matmul %get3A_124, %get3A_129, %dot_general3A_130 {dimension_numbers = #tpu.dot_dimension_numbers<[1], [1], [0], [0], [0, 0, 1, 0], [], []>, transpose_lhs_hint = false} : vector<16x384xf32>, vector<128x384xf32>, vector<16x128xf32> -> vector<16x128xf32>
    %get3A_132 = arith.constant 5 : index
    %get3A_133 = arith.constant 0 : index
    %get3A_134 = vector.load %arg2[%get3A_132, %get3A_133] : memref<6x128xf32, #tpu.memory_space<vmem>>, vector<1x128xf32>
    %get3A_135 = vector.shape_cast %get3A_134 : vector<1x128xf32> to vector<128xf32>
    %broadcast_in_dim3A_136 = vector.shape_cast %get3A_135 : vector<128xf32> to vector<1x128xf32>
    %add3A_137 = vector.broadcast %broadcast_in_dim3A_136 : vector<1x128xf32> to vector<16x128xf32>
    %add3A_138 = arith.addf %dot_general3A_131, %add3A_137 : vector<16x128xf32>
    %swap3A_139 = arith.constant 5 : index
    %swap3A_140 = arith.constant 0 : index
    %swap3A_141 = arith.constant 0 : index
    %swap3A_142 = vector.load %arg3[%swap3A_139, %swap3A_140, %swap3A_141] : memref<6x16x128xf32, #tpu.memory_space<vmem>>, vector<1x16x128xf32>
    %swap3A_143 = vector.shape_cast %swap3A_142 : vector<1x16x128xf32> to vector<16x128xf32>
    %swap3A_144 = vector.shape_cast %add3A_138 : vector<16x128xf32> to vector<1x16x128xf32>
    tpu.vector_store %arg3[%swap3A_139, %swap3A_140, %swap3A_141], %swap3A_144 {strides = array<i32>} : memref<6x16x128xf32, #tpu.memory_space<vmem>>, vector<1x16x128xf32>,
    return
  }
}

</mosaic_0001>

<sc_bundles>
// kernel: sparse-core-data-format-call.1.cloned.1.call-start
scs
called_computation.1_lowered:
.L_overlay_start_0:
0x0: {  	s2 =	sld [smem:$0x3FD9]  }
0x1: {  	s3 =	sld [smem:$0x3FFE];
	_ =	sdelay $0x1  }
0x2: {  	s1 =	srdreg.scid  }
0x3: {  	s0 =	sand.u32 $0x1, s1  }
0x4: {  	s18 =	sshll.u32 s0, $0xA;
	s2 =	sadd.s32 s3, s2  }
0x5: {  	s2 =	sadd.s32 s2, s18  }
0x6: {  	[smem:$0x3FC4] =	sst s2  }
0x7: {  	_ = 	snop  }
0x8: {  	s2 =	sld [smem:$0x3FC8];
	(tm) =	ssettm $0x1  }
0x9: {  	s19 =	sld [smem:$0x3FFB];
	_ =	sdelay $0x3  }
0xa: {  	_ =	strace s19  }
0xb: {  	s3 =	sld [smem:$0x3FFC];
	_ =	sdelay $0x3  }
0xc: {  	_ =	strace s3  }
0xd: {  	s3 =	sld [smem:$0x3FFD];
	_ =	sdelay $0x3  }
0xe: {  	_ =	strace s3  }
0xf: {  	_ =	strace $0x8FFFFFFF  }
0x10: {  	s20 =	sld [smem:$0x3FDB];
	_ =	sdelay $0x1  }
0x11: {  	s4 =	simm.s32 $_scs_section_size  }
0x12: {  	s5 =	simm.s32 $_size__tile_overlayer_lowered;
	s6 =	simm.s32 $_tile_overlayer_lowered  }
0x13: {  	s23 =	simm.s32 $0x1BFF;
	s22 =	sshll.u32 s6, $0x1;
	s3 =	sadd.s32 s4, s20  }
0x14: {  	s7 =	simm.s32 $0x0;
	s21 =	sshll.u32 s5, $0x1;
	s5 =	sadd.s32 s22, s3  }
0x15: {  	[timem:s7], [sflag:s23] =	dma.local [hbm:s5], s21  }
0x16: {  	_ =	swait.ge [sflag:s23], s21  }
0x17: {  	s4 =	ssub.s32 $0x0, s21;
	[sflag:s23] =	ssyncset.done $0x0  }
0x18: {  	[sflag:s23] =	ssyncadd.s32 s4;
	_ =	sdelay $0x1  }
0x19: {  	s24 =	simm.s32 $0x1B8B  }
0x1a: {  	_ =	swait.ge [sflag:s24], $0x1  }
0x1b: {  	[sflag:s24] =	ssyncset.done $0x0  }
0x1c: {  	s26 =	simm.s32 $0x1B8E;
	s25 =	sld [smem:$0x3FFE];
	[sflag:s24] =	ssyncadd.s32 $0xFFFFFFFF  }
0x1d: {  	s27 =	simm.s32 $execute0_lowered;
	[smem:$0x3FD2] =	sst s26  }
0x1e: {  	s5 =	sshll.u32 s27, $0x1;
	_ =	strace $0x80000046;
	[dreg:$0x1] =	wrdreg $0xFFFFFFFF  }
0x1f: {  	s28 =	simm.s32 $_size_execute0_lowered;
	s3 =	sadd.s32 s3, s5;
	[dreg:$0x0] =	wrdreg $0x0  }
0x20: {  	s5 =	sshll.u32 s28, $0x1;
	[dreg:$0x2] =	wrdreg s3  }
0x21: {  	[dreg:$0x3] =	wrdreg s5  }
0x22: {  	[dreg:$0x4] =	wrdreg $0xC0  }
0x23: {  	_ =	task [dreg:s7], $0x5FFFF  }
0x24: {  	[dreg:$0x1] =	wrdreg $0xFFFFFFFF  }
0x25: {  	[dreg:$0x0] =	wrdreg $0x60  }
0x26: {  	[dreg:$0x2] =	wrdreg s2  }
0x27: {  	[dreg:$0x3] =	wrdreg s25  }
0x28: {  	[dreg:$0x4] =	wrdreg $0x9  }
0x29: {  	_ =	task.clear_ibuf [dreg:s7], $0x5FFFF;
	_ =	strace $0x90000046  }
0x2a: {  	s29 =	simm.s32 $0x9;
	_ =	strace $0x80000048  }
0x2b: {  	_ =	swait.ge [sflag:s29], $0x1  }
0x2c: {  	[sflag:s29] =	ssyncadd.s32 $0xFFFFFFFF  }
0x2d: {  	_ =	strace $0x90000048  }
0x2e: {  	_ =	sfence  }
0x2f: {  	s30 =	sld [smem:$0x0];
	_ =	sdelay $0x2  }
0x30: {  	s31 =	sshll.u32 s1, $0xD;
	s1 =	sshrl.u32 s1, $0x2  }
0x31: {  	s3 =	sand.u32 $0x4000, s31;
	s1 =	sadd.s32 s1, s30  }
0x32: {  	s0 =	sor.u32 s3, s0;
	s1 =	sshll.u32 s1, $0x11  }
0x33: {  	s0 =	sor.u32 s1, s0  }
0x34: {  	s0 =	sadd.s32 $0x8F2B, s0  }
0x35: {  	[sflag:s0] =	ssyncadd.remote.s32 $0x1  }
0x36: {  	_ =	sfence.sel $0xFFFF  }
0x37: {  	[dreg:$0x0] =	wrdreg $0xFFFFFFFF;
	(pc) =	sbr.abs _section_cstart, $3  }
0x38: {  	[dreg:$0x1] =	wrdreg $0xFFFFFFFF  }
0x39: {  	_ =	task.clear_ibuf [dreg:s7], $0x2FFFF;
	_ =	strace $0x9FFFFFFF  }
0x3a: {  	(tm) =	ssettm $0x7FFFFFFF  }
0x3b: {  	_ =	shalt  }
tec
execute0_lowered:
.L_overlay_start_1:
0x0: {  	(tag) =	ssettag $0x1  }
0x1: {  	s2 =	rddreg [dreg:$0x0]  }
0x2: {  	s1 =	rddreg [dreg:$0x1]  }
0x3: {  	s0 =	rddreg [dreg:$0x2];
	s4 =	srdreg.scid  }
0x4: {  	_ =	strace $0x80000047;
	s7 =	simm.s32 $0x2;
	s14 =	simm.s32 $0x0  }
0x5: {  	p0 =	por $0x0, $0x0;
	s13 =	simm.s32 $0x0;
	s16 =	simm.s32 $0x0  }
0x6: {  	s15 =	simm.s32 $0x0;
	s9 =	simm.s32 $0x0;
	s10 =	simm.s32 $0x0  }
.Ltmp0:
0x7: {  	s3 =	sadd.s32 $0x1000, s1;
	s4 =	sshll.u32 s4, $0x4;
	(pc) =	sbr.rel .LBB1_1-.Ltmp0, $4  }
0x8: {  	s1 =	stileid.u32;
	s5 =	sand.u32 $0x10, s4;
	s4 =	simm.s32 $0x1  }
0x9: {  	s8 =	simm.s32 $0x0;
	s6 =	sor.u32 s1, s5;
	[sflag:s4] =	ssyncpa.u1 $0x0  }
0xa: {  	s5 =	sand.u32 $0x7, s1;
	s6 =	sshrl.u32 s6, $0x3;
	[sflag:s7] =	ssyncpa.u1 $0x0  }
0xb: {  	s7 =	simm.s32 $0x2000;
	s12 =	smov.u32 s5;
	s11 =	smov.u32 s6  }
.LBB1_5:
0xc: {  	s17 =	sadd.s32 $0x80, s9  }
0xd: {  	s13 =	sadd.s32 $0x40, s10;
	s18 =	smov.u32 s10;
	p2 =	sgt.s32 s17, $0x17F  }
0xe: {  	s18 =	smov.u32 @p2 s13  }
0xf: {  	s19 =	smov.u32 s11;
	s13 =	sadd.s32 $0x4, s11;
	p3 =	sgt.s32 s18, $0x3F  }
0x10: {  	s19 =	smov.u32 @p3 s13  }
0x11: {  	s20 =	smov.u32 s12;
	s13 =	sadd.s32 $0x8, s12;
	p4 =	sgt.s32 s19, $0x3F  }
0x12: {  	p1 =	slt.u32 s8, $0x2;
	s20 =	smov.u32 @p4 s13  }
0x13: {  	s8 =	sadd.s32 $0x1, s8;
	s17 =	simm.s32 @p2 $0x0;
	p2 =	sgt.s32 s20, $0x7  }
0x14: {  	s14 =	smov.u32 s9;
	s20 =	smov.u32 @p2 s5;
	p2 =	sne.s32 s8, $0x32  }
.Ltmp1:
0x15: {  	s16 =	smov.u32 s11;
	s21 =	simm.s32 @!p1 $0x2;
	(pc) =	sbr.rel @!p2 .LBB1_6-.Ltmp1, $4  }
0x16: {  	s15 =	smov.u32 s12;
	p0 =	por !p0, !p0;
	_ =	swait.ge @!p1 [sflag:s21], $0x2000  }
0x17: {  	[sflag:s21] =	ssyncset.done @!p1 $0x0;
	s9 =	smov.u32 s17;
	s18 =	simm.s32 @p3 $0x0  }
0x18: {  	[sflag:s21] =	ssyncadd.s32 @!p1 $0xFFFFE000;
	s19 =	smov.u32 @p4 s6;
	s13 =	smov.u32 s10  }
0x19: {  	s10 =	smov.u32 s18;
	s11 =	smov.u32 s19;
	s12 =	smov.u32 s20  }
.LBB1_1:
0x1a: {  	p1 =	sgt.u32 s8, $0x2F  }
0x1b: {  	s17 =	sshrl.u32 @!p1 s10, $0x3  }
0x1c: {  	s18 =	sshll.u32 @!p1 s9, $0x3;
	s17 =	smul.u32 @!p1 $0xC00, s17  }
0x1d: {  	s19 =	sshll.u32 @!p1 s10, $0x7;
	s18 =	sand.u32 @!p1 $0xFFFFFC00, s18  }
0x1e: {  	s17 =	sadd.s32 @!p1 s17, s18;
	s18 =	sand.u32 @!p1 $0x380, s19  }
0x1f: {  	s19 =	sand.u32 @!p1 $0x7F, s9;
	s17 =	sor.u32 @!p1 s18, s17  }
0x20: {  	s18 =	sor.u32 @!p1 s19, s17  }
0x21: {  	s19 =	smulhi.u32 @!p1 $0xAAAAAAAB, s18  }
0x22: {  	s17 =	smulhi.u32 @!p1 $0xAAAAAAAB, s17  }
0x23: {  	s21 =	smul.u32 @!p1 $0x30000, s12;
	s19 =	sshrl.u32 @!p1 s19, $0x8  }
0x24: {  	s20 =	sxor.u32 @!p1 $0xFFFFFFFF, s8;
	s17 =	sshrl.u32 @!p1 s17, $0x8;
	s19 =	smul.u32 @!p1 $0x180, s19  }
0x25: {  	s22 =	smul.u32 @!p1 $0xC00, s11;
	s20 =	sshll.u32 @!p1 s20, $0xD;
	s17 =	sand.u32 @!p1 $0x3F, s17  }
0x26: {  	s17 =	smul.u32 @!p1 $0x30, s17;
	s18 =	ssub.s32 @!p1 s18, s19;
	s19 =	sadd.s32 @!p1 s2, s21  }
0x27: {  	s20 =	sand.u32 @!p1 $0x2000, s20;
	s19 =	sadd.s32 @!p1 s22, s19;
	s21 =	sand.u32 @!p1 $0x7, s18  }
0x28: {  	s18 =	sshrl.u32 @!p1 s18, $0x3;
	s17 =	sadd.s32 @!p1 s17, s19;
	s19 =	sshll.u32 @!p1 s21, $0x12  }
0x29: {  	s17 =	sadd.s32 @!p1 s18, s17;
	s18 =	sor.u32 @!p1 $0x400, s19;
	s19 =	simm.s32 @!p1 $0xC00  }
0x2a: {  	[tilespmem:s20], [sflag:$0x1] =	stream.strided.gather @!p1 [hbm4b:s17+s18], $0x2000, s19, s18, $0x38;
	[tilespmem:$0x8100] =	vst v63  }
0x2b: {  	p1 =	seq.s32 s8, $0x0  }
0x2c: {  	p2 =	seq.s32 @!p1 s8, $0x31  }
0x2d: {  	p1 =	por p1, p2  }
.Ltmp2:
0x2e: {  	_ = 	snop;
	(pc) =	sbr.rel @p1 .LBB1_5-.Ltmp2, $1  }
0x2f: {  	_ =	sdelay $0x3  }
0x30: {  	s17 =	simm.s32 $0x1  }
0x31: {  	_ =	swait.ge [sflag:s4], $0x2000;
	s17 =	simm.s32 @!p0 $0x0  }
0x32: {  	[sflag:s4] =	ssyncset.done $0x0;
	s18 =	sshll.u32 s17, $0xD  }
0x33: {  	[sflag:s4] =	ssyncadd.s32 $0xFFFFE000;
	s19 =	sor.u32 $0x40, s18  }
0x34: {  	s17 =	smul.u32 $0x8200, s17;
	v0 =	vld [tilespmem:s19+$0x30]  }
0x35: {  	v1 =	vld [tilespmem:s19+$0xFFFFFFD0]  }
0x36: {  	s17 =	sshrl.u32 s17, $0x2;
	v5 =	vld [tilespmem:s19+$0xFFFFFFE0]  }
0x37: {  	v6 =	vld [tilespmem:s19+$0xFFFFFFF0];
	s18 =	sor.u32 $0x4000, s17  }
0x38: {  	s31 =	sand.u32 $0x1, s8;
	v2 =	vld [tilespmem:s19+$0x0];
	s20 =	sadd.s32 $0x0, s18  }
0x39: {  	v3 =	vld [tilespmem:s19+$0x10];
	s17 =	smul.u32 $0x8200, s31;
	[tilespmem:s20+$0x1C70 ss:$0x41] =	vst.msk $0xffff, v0  }
0x3a: {  	v4 =	vld [tilespmem:s19+$0x20];
	[tilespmem:s20+$0x410 ss:$0x41] =	vst.msk $0xffff, v1  }
0x3b: {  	s17 =	sshrl.u32 s17, $0x2;
	v0 =	vld [tilespmem:s19+$0xFFFFFFC0];
	[tilespmem:s20+$0x820 ss:$0x41] =	vst.msk $0xffff, v5;
	s19 =	sadd.s32 $0x80, s19  }
0x3c: {  	s21 =	simm.s32 $0x4;
	s22 =	simm.s32 $0x8;
	s17 =	sor.u32 $0x4000, s17;
	[tilespmem:s20+$0xC30 ss:$0x41] =	vst.msk $0xffff, v6;
	v1 =	vld [tilespmem:s19+$0x30]  }
.LBB1_3:
0x3d: {  	p1 =	sne.s32 s22, $0xFC;
	v5 =	vld [tilespmem:s19+$0xFFFFFFD0];
	[tilespmem:s20+$0x1040 ss:$0x41] =	vst.msk $0xffff, v2  }
0x3e: {  	v6 =	vld [tilespmem:s19+$0xFFFFFFE0];
	[tilespmem:s20+$0x1450 ss:$0x41] =	vst.msk $0xffff, v3  }
0x3f: {  	s23 =	sshra.s32 s21, $0x2;
	s21 =	smov.u32 s22;
	v7 =	vld [tilespmem:s19+$0xFFFFFFF0];
	[tilespmem:s20+$0x1860 ss:$0x41] =	vst.msk $0xffff, v4  }
.Ltmp3:
0x40: {  	v2 =	vld [tilespmem:s19+$0x0];
	[tilespmem:s20+$0x0 ss:$0x41] =	vst.msk $0xffff, v0;
	s20 =	sadd.s32 s23, s18;
	(pc) =	sbr.rel @p1 .LBB1_3-.Ltmp3, $4  }
0x41: {  	v3 =	vld [tilespmem:s19+$0x10];
	[tilespmem:s20+$0x1C70 ss:$0x41] =	vst.msk $0xffff, v1  }
0x42: {  	[tilespmem:s20+$0x410 ss:$0x41] =	vst.msk $0xffff, v5;
	v4 =	vld [tilespmem:s19+$0x20]  }
0x43: {  	v0 =	vld [tilespmem:s19+$0xFFFFFFC0];
	[tilespmem:s20+$0x820 ss:$0x41] =	vst.msk $0xffff, v6;
	s19 =	sadd.s32 $0x80, s19  }
0x44: {  	s22 =	sadd.s32 $0x4, s22;
	v1 =	vld [tilespmem:s19+$0x30];
	[tilespmem:s20+$0xC30 ss:$0x41] =	vst.msk $0xffff, v7  }
0x45: {  	v5 =	vld [tilespmem:s19+$0xFFFFFFD0];
	[tilespmem:s20+$0x1040 ss:$0x41] =	vst.msk $0xffff, v2  }
0x46: {  	v58 =	vld [tilespmem:s19+$0xFFFFFFE0];
	[tilespmem:s20+$0x1450 ss:$0x41] =	vst.msk $0xffff, v3  }
0x47: {  	s21 =	sshra.s32 s21, $0x2;
	v59 =	vld [tilespmem:s19+$0xFFFFFFF0];
	[tilespmem:s20+$0x1860 ss:$0x41] =	vst.msk $0xffff, v4  }
0x48: {  	v60 =	vld [tilespmem:s19+$0x0];
	s18 =	sadd.s32 s21, s18;
	[tilespmem:s20+$0x0 ss:$0x41] =	vst.msk $0xffff, v0  }
0x49: {  	s16 =	sshll.u32 s16, $0x7;
	v61 =	vld [tilespmem:s19+$0x10];
	[tilespmem:s18+$0x1C70 ss:$0x41] =	vst.msk $0xffff, v1  }
0x4a: {  	s27 =	sshll.u32 s13, $0x3;
	v62 =	vld [tilespmem:s19+$0x20];
	s15 =	smul.u32 $0x60000, s15;
	s14 =	sshll.u32 s14, $0xA;
	[tilespmem:s18+$0x410 ss:$0x41] =	vst.msk $0xffff, v5  }
0x4b: {  	v63 =	vld [tilespmem:s19+$0xFFFFFFC0];
	s29 =	sshrl.u32 s13, $0x3;
	s28 =	sand.u32 $0x1C00, s16;
	s20 =	sand.u32 $0x1C00, s27;
	[tilespmem:s18+$0x820 ss:$0x41] =	vst.msk $0xffff, v58  }
0x4c: {  	s30 =	sand.u32 $0x7, s13;
	s16 =	sand.u32 $0x380, s16;
	s20 =	sadd.s32 s28, s20;
	[tilespmem:s18+$0xC30 ss:$0x41] =	vst.msk $0xffff, v59  }
.Ltmp4:
0x4d: {  	s15 =	sadd.s32 s3, s15;
	s16 =	sor.u32 s16, s20;
	[tilespmem:s18+$0x1040 ss:$0x41] =	vst.msk $0xffff, v60;
	(pc) =	sbr.rel .LBB1_5-.Ltmp4, $4  }
0x4e: {  	s19 =	sand.u32 $0xF, s29;
	s14 =	sadd.s32 s14, s15;
	[tilespmem:s18+$0x1450 ss:$0x41] =	vst.msk $0xffff, v61;
	s16 =	sshrl.u32 s16, $0x3  }
0x4f: {  	s13 =	sshll.u32 s30, $0x12;
	s14 =	sadd.s32 s19, s14;
	[tilespmem:s18+$0x1860 ss:$0x41] =	vst.msk $0xffff, v62;
	s31 =	sand.u32 $0x3F0, s16  }
0x50: {  	s13 =	sor.u32 $0x40, s13;
	[tilespmem:s18+$0x0 ss:$0x41] =	vst.msk $0xffff, v63;
	s14 =	sadd.s32 s31, s14  }
0x51: {  	[hbm4b:s14+s13] =	stream.strided.scatter [tilespmem:s17], [sflag:$0x2], $0x2000, s7, s13, $0x18;
	[tilespmem:$0x8100] =	vst v63  }
.LBB1_6:
0x52: {  	_ =	sfence.sel $0x180000  }
0x53: {  	s2 =	simm.s32 $0x1;
	[bflag:$0x0] =	sbarrier.arrive $0xFFFF  }
0x54: {  	s31 =	simm.s32 $0x2;
	[sflag:s2] =	ssyncpa.u1 $0x1  }
0x55: {  	[sflag:s31] =	ssyncpa.u1 $0x1  }
0x56: {  	p0 =	sne.s32 s1, $0x0;
	_ =	strace $0x90000047  }
0x57: {  	s0 =	sadd.s32 @!p0 $0x100000, s0;
	[bflag:$0x2] =	sbarrier.arrive $0xFFFF  }
0x58: {  	[sflag:s0] =	ssyncadd.tile.s32 @!p0 $0x1;
	_ =	shalt  }
.Lfunc_end1:
_tile_overlayer_lowered:
.L_overlay_start_2:
0x59: {  	(tag) =	ssettag $0x2  }
0x5a: {  	s0 =	rddreg [dreg:$0x0];
	s2 =	stileid.u32  }
0x5b: {  	s1 =	rddreg [dreg:$0x1];
	p0 =	sne.s32 s2, $0x0  }
0x5c: {  	s3 =	rddreg [dreg:$0x2];
	[bflag:$0x3] =	sbarrier.arrive $0xFFFF;
	s2 =	simm.s32 @!p0 $0x1C01  }
0x5d: {  	[timem:s3], [sflag:s2] =	dma.local @!p0 [hbm:s0], s1  }
0x5e: {  	s0 =	simm.s32 @!p0 $0x1  }
0x5f: {  	_ =	swait.ge @!p0 [sflag:s0], s1  }
0x60: {  	s1 =	ssub.s32 @!p0 $0x0, s1;
	[sflag:s0] =	ssyncset.done @!p0 $0x0  }
0x61: {  	[sflag:s0] =	ssyncadd.s32 @!p0 s1  }
0x62: {  	[bflag:$0x3] =	sbarrier.arrive $0xFFFF  }
0x63: {  	_ =	shalt  }

// kernel: sparse-core-data-format-call.cloned.1.call-start
scs
called_computation_lowered:
.L_overlay_start_0:
0x0: {  	s2 =	sld [smem:$0x3FD9]  }
0x1: {  	s3 =	sld [smem:$0x3FFE];
	_ =	sdelay $0x1  }
0x2: {  	s1 =	srdreg.scid  }
0x3: {  	s0 =	sand.u32 $0x1, s1  }
0x4: {  	s15 =	sshll.u32 s0, $0xA;
	s2 =	sadd.s32 s3, s2  }
0x5: {  	s2 =	sadd.s32 s2, s15  }
0x6: {  	[smem:$0x3FC4] =	sst s2  }
0x7: {  	_ = 	snop  }
0x8: {  	s2 =	sld [smem:$0x3FD0];
	_ =	sdelay $0x2  }
0x9: {  	s16 =	simm.s32 $0xA;
	s4 =	simm.s32 $0x10  }
0xa: {  	[smem:s4], [sflag:s16] =	dma.local [hbm:s2], $0x1  }
0xb: {  	_ =	swait.eq [sflag:s16], $0x1  }
0xc: {  	[sflag:s16] =	ssyncset.done $0x0  }
0xd: {  	[sflag:s16] =	ssyncadd.s32 $0xFFFFFFFF  }
0xe: {  	s17 =	sld [smem:$0x10];
	(tm) =	ssettm $0x1  }
0xf: {  	s18 =	sld [smem:$0x3FFB];
	_ =	sdelay $0x3  }
0x10: {  	_ =	strace s18  }
0x11: {  	s3 =	sld [smem:$0x3FFC];
	_ =	sdelay $0x3  }
0x12: {  	_ =	strace s3  }
0x13: {  	s3 =	sld [smem:$0x3FFD];
	_ =	sdelay $0x3  }
0x14: {  	_ =	strace s3  }
0x15: {  	_ =	strace $0x8FFFFFFF  }
0x16: {  	s19 =	sld [smem:$0x3FDB];
	_ =	sdelay $0x1  }
0x17: {  	s20 =	simm.s32 $_scs_section_size  }
0x18: {  	s5 =	simm.s32 $_size__tile_overlayer_lowered;
	s6 =	simm.s32 $_tile_overlayer_lowered  }
0x19: {  	s23 =	simm.s32 $0x1BFF;
	s22 =	sshll.u32 s6, $0x1;
	s3 =	sadd.s32 s20, s19  }
0x1a: {  	s7 =	simm.s32 $0x0;
	s21 =	sshll.u32 s5, $0x1;
	s5 =	sadd.s32 s22, s3  }
0x1b: {  	[timem:s7], [sflag:s23] =	dma.local [hbm:s5], s21  }
0x1c: {  	_ =	swait.ge [sflag:s23], s21  }
0x1d: {  	s4 =	ssub.s32 $0x0, s21;
	[sflag:s23] =	ssyncset.done $0x0  }
0x1e: {  	[sflag:s23] =	ssyncadd.s32 s4;
	_ =	sdelay $0x1  }
0x1f: {  	s24 =	simm.s32 $0x1B8B  }
0x20: {  	_ =	swait.ge [sflag:s24], $0x1  }
0x21: {  	[sflag:s24] =	ssyncset.done $0x0  }
0x22: {  	s26 =	simm.s32 $0x1B8E;
	s25 =	sld [smem:$0x3FFE];
	[sflag:s24] =	ssyncadd.s32 $0xFFFFFFFF  }
0x23: {  	s27 =	simm.s32 $execute0_lowered;
	[smem:$0x3FD2] =	sst s26  }
0x24: {  	s5 =	sshll.u32 s27, $0x1;
	_ =	strace $0x80000049;
	[dreg:$0x1] =	wrdreg $0xFFFFFFFF  }
0x25: {  	s28 =	simm.s32 $_size_execute0_lowered;
	s3 =	sadd.s32 s3, s5;
	[dreg:$0x0] =	wrdreg $0x0  }
0x26: {  	s5 =	sshll.u32 s28, $0x1;
	[dreg:$0x2] =	wrdreg s3  }
0x27: {  	[dreg:$0x3] =	wrdreg s5  }
0x28: {  	[dreg:$0x4] =	wrdreg $0xC0  }
0x29: {  	_ =	task [dreg:s7], $0x5FFFF  }
0x2a: {  	[dreg:$0x1] =	wrdreg $0xFFFFFFFF  }
0x2b: {  	[dreg:$0x0] =	wrdreg $0x60  }
0x2c: {  	[dreg:$0x2] =	wrdreg s25  }
0x2d: {  	[dreg:$0x3] =	wrdreg s17  }
0x2e: {  	[dreg:$0x4] =	wrdreg $0x9  }
0x2f: {  	_ =	task.clear_ibuf [dreg:s7], $0x5FFFF;
	_ =	strace $0x90000049  }
0x30: {  	s29 =	simm.s32 $0x9;
	_ =	strace $0x8000004B  }
0x31: {  	_ =	swait.ge [sflag:s29], $0x1  }
0x32: {  	[sflag:s29] =	ssyncadd.s32 $0xFFFFFFFF  }
0x33: {  	_ =	strace $0x9000004B  }
0x34: {  	_ =	sfence  }
0x35: {  	s30 =	sld [smem:$0x0];
	_ =	sdelay $0x2  }
0x36: {  	s31 =	sshll.u32 s1, $0xD;
	s1 =	sshrl.u32 s1, $0x2  }
0x37: {  	s3 =	sand.u32 $0x4000, s31;
	s1 =	sadd.s32 s1, s30  }
0x38: {  	s0 =	sor.u32 s3, s0;
	s1 =	sshll.u32 s1, $0x11  }
0x39: {  	s0 =	sor.u32 s1, s0  }
0x3a: {  	s0 =	sadd.s32 $0x8F2B, s0  }
0x3b: {  	[sflag:s0] =	ssyncadd.remote.s32 $0x1  }
0x3c: {  	_ =	sfence.sel $0xFFFF  }
0x3d: {  	[dreg:$0x0] =	wrdreg $0xFFFFFFFF;
	(pc) =	sbr.abs _section_cstart, $3  }
0x3e: {  	[dreg:$0x1] =	wrdreg $0xFFFFFFFF  }
0x3f: {  	_ =	task.clear_ibuf [dreg:s7], $0x2FFFF;
	_ =	strace $0x9FFFFFFF  }
0x40: {  	(tm) =	ssettm $0x7FFFFFFF  }
0x41: {  	_ =	shalt  }
tec
execute0_lowered:
.L_overlay_start_1:
0x0: {  	(tag) =	ssettag $0x1  }
0x1: {  	s3 =	rddreg [dreg:$0x0]  }
0x2: {  	s2 =	rddreg [dreg:$0x1]  }
0x3: {  	s1 =	srdreg.scid;
	s0 =	rddreg [dreg:$0x2];
	_ =	strace $0x8000004A  }
0x4: {  	s7 =	simm.s32 $0x2;
	s12 =	simm.s32 $0x0;
	p0 =	por $0x0, $0x0  }
0x5: {  	s14 =	simm.s32 $0x0;
	s13 =	simm.s32 $0x0;
	s10 =	simm.s32 $0x0  }
.Ltmp0:
0x6: {  	s8 =	simm.s32 $0x0;
	s4 =	sshll.u32 s1, $0x4;
	(pc) =	sbr.rel .LBB1_1-.Ltmp0, $4  }
0x7: {  	s1 =	stileid.u32;
	s3 =	sadd.s32 $0x181000, s3;
	s4 =	sand.u32 $0x10, s4  }
0x8: {  	s5 =	sand.u32 $0x7, s1;
	s6 =	sor.u32 s1, s4;
	s4 =	simm.s32 $0x1  }
0x9: {  	s11 =	smov.u32 s5;
	[sflag:s4] =	ssyncpa.u1 $0x0;
	s6 =	sshrl.u32 s6, $0x3  }
0xa: {  	[sflag:s7] =	ssyncpa.u1 $0x0;
	s7 =	simm.s32 $0xC00;
	s9 =	smov.u32 s6  }
.LBB1_5:
0xb: {  	s15 =	sadd.s32 $0x4, s9  }
0xc: {  	s12 =	sadd.s32 $0x80, s10;
	s16 =	smov.u32 s10;
	p2 =	sgt.s32 s15, $0x3F  }
0xd: {  	s16 =	smov.u32 @p2 s12  }
0xe: {  	s18 =	smov.u32 s11;
	s12 =	sadd.s32 $0x8, s11;
	p3 =	sgt.s32 s16, $0x17F  }
0xf: {  	p1 =	slt.u32 s8, $0x2;
	s18 =	smov.u32 @p3 s12  }
0x10: {  	s8 =	sadd.s32 $0x1, s8;
	s15 =	smov.u32 @p2 s6;
	p2 =	sgt.s32 s18, $0x7  }
0x11: {  	s18 =	smov.u32 @p2 s5;
	p2 =	sne.s32 s8, $0x32  }
.Ltmp1:
0x12: {  	s17 =	simm.s32 @!p1 $0x2;
	(pc) =	sbr.rel @!p2 .LBB1_6-.Ltmp1, $4  }
0x13: {  	s14 =	smov.u32 s10;
	_ =	swait.ge @!p1 [sflag:s17], $0x2000  }
0x14: {  	s13 =	smov.u32 s11;
	p0 =	por !p0, !p0;
	[sflag:s17] =	ssyncset.done @!p1 $0x0  }
0x15: {  	s16 =	simm.s32 @p3 $0x0;
	s12 =	smov.u32 s9;
	[sflag:s17] =	ssyncadd.s32 @!p1 $0xFFFFE000  }
0x16: {  	s9 =	smov.u32 s15;
	s10 =	smov.u32 s16;
	s11 =	smov.u32 s18  }
.LBB1_1:
0x17: {  	p1 =	sgt.u32 s8, $0x2F  }
0x18: {  	s16 =	smul.u32 @!p1 $0x60000, s11  }
0x19: {  	s15 =	sxor.u32 @!p1 $0xFFFFFFFF, s8;
	s17 =	sshll.u32 @!p1 s10, $0xA  }
0x1a: {  	s18 =	sshll.u32 @!p1 s9, $0x4;
	s15 =	sshll.u32 @!p1 s15, $0xD;
	s16 =	sadd.s32 @!p1 s3, s16  }
0x1b: {  	s18 =	sand.u32 @!p1 $0x3F0, s18;
	s15 =	sand.u32 @!p1 $0x2000, s15;
	s16 =	sadd.s32 @!p1 s17, s16  }
0x1c: {  	s17 =	simm.s32 @!p1 $0x40;
	s16 =	sadd.s32 @!p1 s18, s16;
	s18 =	simm.s32 @!p1 $0x2000  }
0x1d: {  	[tilespmem:s15], [sflag:$0x1] =	stream.strided.gather @!p1 [hbm4b:s16+s17], $0x2000, s18, s17, $0x38;
	[tilespmem:$0x8080] =	vst v63  }
0x1e: {  	p1 =	seq.s32 s8, $0x0  }
0x1f: {  	p2 =	seq.s32 @!p1 s8, $0x31  }
0x20: {  	p1 =	por p1, p2  }
.Ltmp2:
0x21: {  	_ = 	snop;
	(pc) =	sbr.rel @p1 .LBB1_5-.Ltmp2, $1  }
0x22: {  	_ =	sdelay $0x3  }
0x23: {  	s15 =	simm.s32 $0x1  }
0x24: {  	_ =	swait.ge [sflag:s4], $0x2000;
	s15 =	simm.s32 @!p0 $0x0  }
0x25: {  	[sflag:s4] =	ssyncset.done $0x0;
	s16 =	sshll.u32 s15, $0xD  }
0x26: {  	[sflag:s4] =	ssyncadd.s32 $0xFFFFE000;
	s19 =	sor.u32 $0x20, s16  }
0x27: {  	s15 =	smul.u32 $0x8100, s15;
	v3 =	vld [tilespmem:s19+$0x10]  }
0x28: {  	s30 =	sand.u32 $0x1, s8;
	v2 =	vld [tilespmem:s19+$0xFFFFFFF0]  }
0x29: {  	s16 =	smul.u32 $0x8100, s30;
	s15 =	sshrl.u32 s15, $0x2;
	v0 =	vld [tilespmem:s19+$0x0]  }
0x2a: {  	v1 =	vld [tilespmem:s19+$0xFFFFFFE0];
	s17 =	sor.u32 $0x4000, s15  }
0x2b: {  	s31 =	sshrl.u32 s16, $0x2;
	s16 =	sadd.s32 $0x0, s17  }
0x2c: {  	s18 =	simm.s32 $0x4;
	s19 =	sadd.s32 $0x40, s19;
	s15 =	sor.u32 $0x4000, s31;
	[tilespmem:s16+$0x1830 ss:$0x81] =	vst.msk $0xffff, v3  }
.LBB1_3:
0x2d: {  	v3 =	vld [tilespmem:s19+$0x10];
	p1 =	sne.s32 s18, $0x1FC;
	[tilespmem:s16+$0x810 ss:$0x81] =	vst.msk $0xffff, v2;
	s20 =	smov.u32 s18;
	s18 =	sadd.s32 $0x4, s18  }
.Ltmp3:
0x2e: {  	v2 =	vld [tilespmem:s19+$0xFFFFFFF0];
	[tilespmem:s16+$0x1020 ss:$0x81] =	vst.msk $0xffff, v0;
	(pc) =	sbr.rel @p1 .LBB1_3-.Ltmp3, $4  }
0x2f: {  	v0 =	vld [tilespmem:s19+$0x0];
	[tilespmem:s16+$0x0 ss:$0x81] =	vst.msk $0xffff, v1  }
0x30: {  	s16 =	sshra.s32 s20, $0x2;
	v1 =	vld [tilespmem:s19+$0xFFFFFFE0]  }
0x31: {  	s16 =	sadd.s32 s16, s17  }
0x32: {  	s19 =	sadd.s32 $0x40, s19;
	[tilespmem:s16+$0x1830 ss:$0x81] =	vst.msk $0xffff, v3  }
0x33: {  	s17 =	sshll.u32 s14, $0x3  }
0x34: {  	s30 =	sand.u32 $0x7F, s14;
	s17 =	sand.u32 $0xFFFFFC00, s17  }
0x35: {  	s14 =	sor.u32 s30, s17;
	s17 =	smulhi.u32 $0xAAAAAAAB, s17  }
0x36: {  	s18 =	smulhi.u32 $0xAAAAAAAB, s14  }
0x37: {  	s13 =	smul.u32 $0x30000, s13  }
0x38: {  	s12 =	smul.u32 $0xC00, s12;
	s17 =	sshrl.u32 s17, $0x8;
	s18 =	sshrl.u32 s18, $0x8  }
0x39: {  	s17 =	sand.u32 $0x3F, s17;
	s18 =	smul.u32 $0x180, s18  }
0x3a: {  	s17 =	smul.u32 $0x30, s17  }
.Ltmp4:
0x3b: {  	s13 =	sadd.s32 s2, s13;
	s14 =	ssub.s32 s14, s18;
	(pc) =	sbr.rel .LBB1_5-.Ltmp4, $4  }
0x3c: {  	[tilespmem:s16+$0x810 ss:$0x81] =	vst.msk $0xffff, v2;
	s12 =	sadd.s32 s12, s13;
	s31 =	sand.u32 $0x7, s14  }
0x3d: {  	[tilespmem:s16+$0x1020 ss:$0x81] =	vst.msk $0xffff, v0;
	s12 =	sadd.s32 s17, s12;
	s14 =	sshrl.u32 s14, $0x3;
	s13 =	sshll.u32 s31, $0x12  }
0x3e: {  	[tilespmem:s16+$0x0 ss:$0x81] =	vst.msk $0xffff, v1;
	s12 =	sadd.s32 s14, s12;
	s13 =	sor.u32 $0x400, s13  }
0x3f: {  	[hbm4b:s12+s13] =	stream.strided.scatter [tilespmem:s15], [sflag:$0x2], $0x2000, s7, s13, $0x20;
	[tilespmem:$0x8080] =	vst v63  }
.LBB1_6:
0x40: {  	_ =	sfence.sel $0x180000  }
0x41: {  	s2 =	simm.s32 $0x1;
	[bflag:$0x0] =	sbarrier.arrive $0xFFFF  }
0x42: {  	s31 =	simm.s32 $0x2;
	[sflag:s2] =	ssyncpa.u1 $0x1  }
0x43: {  	[sflag:s31] =	ssyncpa.u1 $0x1  }
0x44: {  	p0 =	sne.s32 s1, $0x0;
	_ =	strace $0x9000004A  }
0x45: {  	s0 =	sadd.s32 @!p0 $0x100000, s0;
	[bflag:$0x2] =	sbarrier.arrive $0xFFFF  }
0x46: {  	[sflag:s0] =	ssyncadd.tile.s32 @!p0 $0x1;
	_ =	shalt  }
.Lfunc_end1:
_tile_overlayer_lowered:
.L_overlay_start_2:
0x47: {  	(tag) =	ssettag $0x2  }
0x48: {  	s0 =	rddreg [dreg:$0x0];
	s2 =	stileid.u32  }
0x49: {  	s1 =	rddreg [dreg:$0x1];
	p0 =	sne.s32 s2, $0x0  }
0x4a: {  	s3 =	rddreg [dreg:$0x2];
	[bflag:$0x3] =	sbarrier.arrive $0xFFFF;
	s2 =	simm.s32 @!p0 $0x1C01  }
0x4b: {  	[timem:s3], [sflag:s2] =	dma.local @!p0 [hbm:s0], s1  }
0x4c: {  	s0 =	simm.s32 @!p0 $0x1  }
0x4d: {  	_ =	swait.ge @!p0 [sflag:s0], s1  }
0x4e: {  	s1 =	ssub.s32 @!p0 $0x0, s1;
	[sflag:s0] =	ssyncset.done @!p0 $0x0  }
0x4f: {  	[sflag:s0] =	ssyncadd.s32 @!p0 s1  }
0x50: {  	[bflag:$0x3] =	sbarrier.arrive $0xFFFF  }
0x51: {  	_ =	shalt  }

</sc_bundles>
